<compile_context>
chip_gen: v7x
topology: tpu7x:2x2x1
jax: 0.10.2.dev20260603
libtpu: 0.0.44.dev20260713+nightly
codegen_flags: <defaults>
</compile_context>

<pallas_src>
import functools

import jax
import jax.numpy as jnp
from jax import lax
from jax.experimental import pallas as pl
from jax.experimental.pallas import tpu as pltpu
from jax.experimental.pallas import tpu_sc as plsc

V = 4096
D = 72
F = 256
L = 200

NC = 2
NS = 16
NW = NC * NS
QG = 16
VW = V // 4


def _sc_histogram(ids_hbm, cnt_hbm, ids_v, buf):
    wid = lax.axis_index("s") * NC + lax.axis_index("c")
    B = ids_hbm.shape[0] // L
    q_per_w = B // NW
    groups = q_per_w // QG
    base_q = wid * q_per_w

    lane = lax.iota(jnp.int32, 16)
    ones = jnp.ones((16,), jnp.int32)
    zeros = jnp.zeros((16,), jnp.int32)
    three = jnp.full((16,), 3, jnp.int32)
    lane_l = lane * L
    lane_w = lane * VW

    def group_body(g, _):
        q0 = base_q + g * QG
        pltpu.sync_copy(ids_hbm.at[pl.ds(q0 * L, QG * L)], ids_v)

        def zrow(i, _):
            buf[pl.ds(i * 16, 16)] = zeros
            return 0

        lax.fori_loop(0, QG * VW // 16, zrow, 0)

        def tok_body(l, _):
            tok = plsc.load_gather(ids_v, [lane_l + l])
            word = lax.shift_right_logical(tok, 2)
            shift = lax.shift_left(jnp.bitwise_and(tok, three), 3)
            addend = lax.shift_left(ones, shift)
            plsc.addupdate_scatter(buf, [lane_w + word], addend)
            return 0

        lax.fori_loop(0, L, tok_body, 0)

        pltpu.sync_copy(buf, cnt_hbm.at[pl.ds(q0 * VW, QG * VW)])
        return 0

    lax.fori_loop(0, groups, group_body, 0)


def _tc_project(cnt_ref, tab_ref, w_ref, b_ref, g_ref, be_ref, out_ref):
    cnt = cnt_ref[...]
    planes = [
        jnp.bitwise_and(lax.shift_right_logical(cnt, 8 * k), 255)
        for k in range(4)
    ]
    cb = jnp.concatenate(planes, axis=1).astype(jnp.bfloat16)
    pooled = lax.dot_general(
        cb, tab_ref[...], (((1,), (0,)), ((), ())),
        preferred_element_type=jnp.float32) * (1.0 / L)
    h = lax.dot_general(
        pooled, w_ref[...], (((1,), (0,)), ((), ())),
        preferred_element_type=jnp.float32) + b_ref[...]
    mu = jnp.mean(h, axis=-1, keepdims=True)
    d = h - mu
    var = jnp.mean(d * d, axis=-1, keepdims=True)
    hn = d * lax.rsqrt(var + 1e-5)
    out_ref[...] = jnp.maximum(hn * g_ref[...] + be_ref[...], 0.0)


def kernel(token_ids, table, W, b, gamma, beta):
    B = token_ids.shape[0]

    mesh = plsc.VectorSubcoreMesh(core_axis_name="c", subcore_axis_name="s")
    counts = pl.kernel(
        _sc_histogram,
        out_type=jax.ShapeDtypeStruct((B * VW,), jnp.int32),
        mesh=mesh,
        scratch_types=[
            pltpu.VMEM((QG * L,), jnp.int32),
            pltpu.VMEM((QG * VW,), jnp.int32),
        ],
        compiler_params=pltpu.CompilerParams(needs_layout_passes=False),
    )(token_ids.reshape(-1)).reshape(B, VW)

    table_r = jnp.concatenate(
        [table[0::4], table[1::4], table[2::4], table[3::4]], axis=0
    ).astype(jnp.bfloat16)

    BB = 512
    grid = B // BB
    out = pl.pallas_call(
        _tc_project,
        grid=(grid,),
        in_specs=[
            pl.BlockSpec((BB, VW), lambda i: (i, 0)),
            pl.BlockSpec((V, D), lambda i: (0, 0)),
            pl.BlockSpec((D, F), lambda i: (0, 0)),
            pl.BlockSpec((1, F), lambda i: (0, 0)),
            pl.BlockSpec((1, F), lambda i: (0, 0)),
            pl.BlockSpec((1, F), lambda i: (0, 0)),
        ],
        out_specs=pl.BlockSpec((BB, F), lambda i: (i, 0)),
        out_shape=jax.ShapeDtypeStruct((B, F), jnp.float32),
    )(counts, table_r, W, b.reshape(1, F), gamma.reshape(1, F),
      beta.reshape(1, F))
    return out

# --- scband reference (transcript-rebuilt; emitter-appended) ---
"""Pipeline reference for scband-frame-head-70703751627518 (READ-ONLY COPY).

The authoritative reference and input builder live on the scoring server;
editing this copy changes nothing except your own understanding.
"""

import jax, jax.numpy as jnp
import numpy as np

V = 4096   # token_vocab_size
D = 72     # token_embedding_dim
F = 256    # frame_dim
B = 16384  # batch of queries
L = 200    # tokens per query


def setup_inputs(seed: int = 0) -> dict:
    key = jax.random.key(seed)
    k1, k2, k3, k4 = jax.random.split(key, 4)
    # batched token indices (original forward tokenizes one query; we batch-tensorize)
    token_ids = jax.random.randint(k1, (B, L), 0, V)
    # embedding table, xavier_uniform init as in the module
    limit = float(np.sqrt(6.0 / (V + D)))
    table = jax.random.uniform(k2, (V, D), minval=-limit, maxval=limit, dtype=jnp.float32)
    # Linear(72 -> 256) params
    wl = float(np.sqrt(1.0 / D))
    W = jax.random.uniform(k3, (D, F), minval=-wl, maxval=wl, dtype=jnp.float32)
    b = jax.random.uniform(k4, (F,), minval=-wl, maxval=wl, dtype=jnp.float32)
    # LayerNorm params
    gamma = jnp.ones((F,), dtype=jnp.float32)
    beta = jnp.zeros((F,), dtype=jnp.float32)
    return {"token_ids": token_ids, "table": table, "W": W, "b": b, "gamma": gamma, "beta": beta}


def reference(token_ids, table, W, b, gamma, beta):
    # embedding lookup (SparseCore gather)
    emb = jnp.take(table, token_ids, axis=0)          # [B, L, D]
    # mean-pool over tokens (dim=0 in the per-query original)
    pooled = jnp.mean(emb, axis=1)                    # [B, D]
    # Linear -> LayerNorm -> ReLU (nn.Sequential proj)
    h = pooled @ W + b                                # [B, F]
    mu = jnp.mean(h, axis=-1, keepdims=True)
    var = jnp.var(h, axis=-1, keepdims=True)
    hn = (h - mu) / jnp.sqrt(var + 1e-5)
    frame_embed = jax.nn.relu(hn * gamma + beta)      # [B, F]
    return frame_embed

if __name__ == "__main__":
    import jax
    _d = setup_inputs()
    print(jax.jit(kernel)(*tuple(_d.values())))

</pallas_src>

<mosaic_0001>
#map = affine_map<(d0, d1) -> (0)>
module attributes {stable_mosaic.version = 14 : i64} {
  func.func @_sc_histogram(%arg0: i32, %arg1: i32, %arg2: memref<3276800xi32, #tpu.memory_space<hbm>>, %arg3: memref<16777216xi32, #tpu.memory_space<hbm>>, %arg4: memref<3200xi32, #tpu.memory_space<vmem>>, %arg5: memref<16384xi32, #tpu.memory_space<vmem>>) attributes {dimension_semantics = [#tpu.dimension_semantics<core_parallel>, #tpu.dimension_semantics<subcore_parallel>], iteration_bounds = array<i64: 2, 16>, scalar_prefetch = 0 : i64, scratch_operands = 2 : i64, tpu.core_type = #tpu.core_type<sc_vector_subcore>, window_params = [{transform_indices = #map}, {transform_indices = #map}]} {
    %mul3A = arith.constant 2 : i32
    %mul3A_0 = arith.muli %arg1, %mul3A : i32
    %add3A = arith.addi %mul3A_0, %arg0 : i32
    %mul3A_1 = arith.constant 512 : i32
    %mul3A_2 = arith.muli %add3A, %mul3A_1 : i32
    %iota3A = tpu.iota {dimensions = array<i32: 0>} : vector<16xi32>
    %broadcast_in_dim3A = arith.constant 1 : i32
    %broadcast_in_dim3A_3 = vector.broadcast %broadcast_in_dim3A : i32 to vector<16xi32>
    %broadcast_in_dim3A_4 = arith.constant 0 : i32
    %broadcast_in_dim3A_5 = vector.broadcast %broadcast_in_dim3A_4 : i32 to vector<16xi32>
    %broadcast_in_dim3A_6 = arith.constant 3 : i32
    %broadcast_in_dim3A_7 = vector.broadcast %broadcast_in_dim3A_6 : i32 to vector<16xi32>
    %mul3A_8 = arith.constant 200 : i32
    %mul3A_9 = vector.broadcast %mul3A_8 : i32 to vector<16xi32>
    %mul3A_10 = arith.muli %iota3A, %mul3A_9 : vector<16xi32>
    %mul3A_11 = arith.constant 1024 : i32
    %mul3A_12 = vector.broadcast %mul3A_11 : i32 to vector<16xi32>
    %mul3A_13 = arith.muli %iota3A, %mul3A_12 : vector<16xi32>
    %scan3A = arith.constant 0 : i32
    %scan3A_14 = arith.constant 0 : i32
    %scan3A_15 = arith.constant 32 : i32
    %scan3A_16 = arith.addi %scan3A_14, %scan3A_15 : i32
    %scan3A_17 = arith.constant 1 : i32
    %scan3A_18 = scf.for %scan3A_20 = %scan3A_14 to %scan3A_16 step %scan3A_17 iter_args(%scan3A_21 = %scan3A) -> (i32)  : i32 {
      %mul3A_22 = arith.constant 16 : i32
      %mul3A_23 = arith.muli %scan3A_20, %mul3A_22 : i32
      %add3A_24 = arith.addi %mul3A_2, %mul3A_23 : i32
      %mul3A_25 = arith.constant 200 : i32
      %mul3A_26 = arith.muli %add3A_24, %mul3A_25 : i32
      "tpu.region"() ({
        %run_scoped3A = tpu.sem_alloc : memref<!tpu.dma_semaphore, #tpu.memory_space<semaphore_mem>>
        %dma_start3A = tpu.memref_slice %arg2[%mul3A_26] : memref<3276800xi32, #tpu.memory_space<hbm>> -> memref<3200xi32, #tpu.memory_space<hbm>>
        %dma_start3A_44 = tpu.memref_slice %arg2[%mul3A_26] : memref<3276800xi32, #tpu.memory_space<hbm>> -> memref<3200xi32, #tpu.memory_space<hbm>>
        tpu.enqueue_dma source(%dma_start3A_44 : memref<3200xi32, #tpu.memory_space<hbm>>) target(%arg4 : memref<3200xi32, #tpu.memory_space<vmem>>) target_semaphore(%run_scoped3A : memref<!tpu.dma_semaphore, #tpu.memory_space<semaphore_mem>>)
        %dma_wait3A = tpu.memref_slice %arg2[%mul3A_26] : memref<3276800xi32, #tpu.memory_space<hbm>> -> memref<3200xi32, #tpu.memory_space<hbm>>
        %dma_wait3A_45 = tpu.memref_slice %arg2[%mul3A_26] : memref<3276800xi32, #tpu.memory_space<hbm>> -> memref<3200xi32, #tpu.memory_space<hbm>>
        tpu.wait_dma2 semaphore(%run_scoped3A : memref<!tpu.dma_semaphore, #tpu.memory_space<semaphore_mem>>) src(%dma_wait3A_45 : memref<3200xi32, #tpu.memory_space<hbm>>) dst(%arg4 : memref<3200xi32, #tpu.memory_space<vmem>>)
        tpu.yield
      }) : () -> ()
      %scan3A_27 = arith.constant 0 : i32
      %scan3A_28 = arith.constant 0 : i32
      %scan3A_29 = arith.constant 1024 : i32
      %scan3A_30 = arith.addi %scan3A_28, %scan3A_29 : i32
      %scan3A_31 = arith.constant 1 : i32
      %scan3A_32 = scf.for %scan3A_44 = %scan3A_28 to %scan3A_30 step %scan3A_31 iter_args(%scan3A_45 = %scan3A_27) -> (i32)  : i32 {
        %mul3A_46 = arith.constant 16 : i32
        %mul3A_47 = arith.muli %scan3A_44, %mul3A_46 : i32
        %swap3A = arith.index_cast %mul3A_47 : i32 to index
        %swap3A_48 = tpu.vector_load %arg5[%swap3A] {strides = array<i32>} : memref<16384xi32, #tpu.memory_space<vmem>>, vector<16xi32>,
        tpu.vector_store %arg5[%swap3A], %broadcast_in_dim3A_5 {strides = array<i32>} : memref<16384xi32, #tpu.memory_space<vmem>>, vector<16xi32>,
        %scan3A_49 = arith.constant 0 : i32
        scf.yield %scan3A_49 : i32
      }
      %scan3A_33 = arith.constant 1024 : i32
      %scan3A_34 = arith.constant 0 : i32
      %scan3A_35 = arith.constant 0 : i32
      %scan3A_36 = arith.constant 200 : i32
      %scan3A_37 = arith.addi %scan3A_35, %scan3A_36 : i32
      %scan3A_38 = arith.constant 1 : i32
      %scan3A_39 = scf.for %scan3A_44 = %scan3A_35 to %scan3A_37 step %scan3A_38 iter_args(%scan3A_45 = %scan3A_34) -> (i32)  : i32 {
        %add3A_46 = vector.broadcast %scan3A_44 : i32 to vector<16xi32>
        %add3A_47 = arith.addi %mul3A_10, %add3A_46 : vector<16xi32>
        %gather3A = tpu.vector_load_idx %arg4[%add3A_47] : memref<3200xi32, #tpu.memory_space<vmem>>[vector<16xi32>], vector<16xi32>,
        %shift_right_logical3A = arith.constant 2 : i32
        %shift_right_logical3A_48 = vector.broadcast %shift_right_logical3A : i32 to vector<16xi32>
        %shift_right_logical3A_49 = arith.shrui %gather3A, %shift_right_logical3A_48 : vector<16xi32>
        %and3A = arith.andi %gather3A, %broadcast_in_dim3A_7 : vector<16xi32>
        %shift_left3A = arith.constant 3 : i32
        %shift_left3A_50 = vector.broadcast %shift_left3A : i32 to vector<16xi32>
        %shift_left3A_51 = arith.shli %and3A, %shift_left3A_50 : vector<16xi32>
        %shift_left3A_52 = arith.shli %broadcast_in_dim3A_3, %shift_left3A_51 : vector<16xi32>
        %add3A_53 = arith.addi %mul3A_13, %shift_right_logical3A_49 : vector<16xi32>
        tpu.vector_store_idx %arg5[%add3A_53], %shift_left3A_52 {add = true} : memref<16384xi32, #tpu.memory_space<vmem>>[vector<16xi32>], vector<16xi32>,
        %scan3A_54 = arith.constant 0 : i32
        scf.yield %scan3A_54 : i32
      }
      %scan3A_40 = arith.constant 200 : i32
      %mul3A_41 = arith.constant 1024 : i32
      %mul3A_42 = arith.muli %add3A_24, %mul3A_41 : i32
      "tpu.region"() ({
        %run_scoped3A = tpu.sem_alloc : memref<!tpu.dma_semaphore, #tpu.memory_space<semaphore_mem>>
        %dma_start3A = tpu.memref_slice %arg3[%mul3A_42] : memref<16777216xi32, #tpu.memory_space<hbm>> -> memref<16384xi32, #tpu.memory_space<hbm>>
        %dma_start3A_44 = tpu.memref_slice %arg3[%mul3A_42] : memref<16777216xi32, #tpu.memory_space<hbm>> -> memref<16384xi32, #tpu.memory_space<hbm>>
        tpu.enqueue_dma source(%arg5 : memref<16384xi32, #tpu.memory_space<vmem>>) target(%dma_start3A_44 : memref<16384xi32, #tpu.memory_space<hbm>>) target_semaphore(%run_scoped3A : memref<!tpu.dma_semaphore, #tpu.memory_space<semaphore_mem>>)
        %dma_wait3A = tpu.memref_slice %arg3[%mul3A_42] : memref<16777216xi32, #tpu.memory_space<hbm>> -> memref<16384xi32, #tpu.memory_space<hbm>>
        %dma_wait3A_45 = tpu.memref_slice %arg3[%mul3A_42] : memref<16777216xi32, #tpu.memory_space<hbm>> -> memref<16384xi32, #tpu.memory_space<hbm>>
        tpu.wait_dma2 semaphore(%run_scoped3A : memref<!tpu.dma_semaphore, #tpu.memory_space<semaphore_mem>>) src(%arg5 : memref<16384xi32, #tpu.memory_space<vmem>>) dst(%dma_wait3A_45 : memref<16384xi32, #tpu.memory_space<hbm>>)
        tpu.yield
      }) : () -> ()
      %scan3A_43 = arith.constant 0 : i32
      scf.yield %scan3A_43 : i32
    }
    %scan3A_19 = arith.constant 32 : i32
    return
  }
}

module attributes {stable_mosaic.version = 14 : i64} {
  func.func @_tc_project(%arg0: i32, %arg1: memref<512x1024xi32, #tpu.memory_space<vmem>>, %arg2: memref<4096x72xbf16, #tpu.memory_space<vmem>>, %arg3: memref<72x256xf32, #tpu.memory_space<vmem>>, %arg4: memref<1x256xf32, #tpu.memory_space<vmem>>, %arg5: memref<1x256xf32, #tpu.memory_space<vmem>>, %arg6: memref<1x256xf32, #tpu.memory_space<vmem>>, %arg7: memref<512x256xf32, #tpu.memory_space<vmem>>) attributes {dimension_semantics = [#tpu.dimension_semantics<arbitrary>], iteration_bounds = array<i64: 32>, scalar_prefetch = 0 : i64, scratch_operands = 0 : i64, tpu.core_type = #tpu.core_type<tc>, window_params = [{transform_indices = @transform_0, window_bounds = array<i64: 512, 1024>}, {pipeline_mode = #tpu.pipeline_mode<synchronous>, transform_indices = @transform_1, window_bounds = array<i64: 4096, 72>}, {pipeline_mode = #tpu.pipeline_mode<synchronous>, transform_indices = @transform_2, window_bounds = array<i64: 72, 256>}, {pipeline_mode = #tpu.pipeline_mode<synchronous>, transform_indices = @transform_3, window_bounds = array<i64: 1, 256>}, {pipeline_mode = #tpu.pipeline_mode<synchronous>, transform_indices = @transform_4, window_bounds = array<i64: 1, 256>}, {pipeline_mode = #tpu.pipeline_mode<synchronous>, transform_indices = @transform_5, window_bounds = array<i64: 1, 256>}, {transform_indices = @transform_6, window_bounds = array<i64: 512, 256>}]} {
    %get3A = arith.constant 0 : index
    %get3A_0 = arith.constant 0 : index
    %get3A_1 = vector.load %arg1[%get3A, %get3A_0] : memref<512x1024xi32, #tpu.memory_space<vmem>>, vector<512x1024xi32>
    %shift_right_logical3A = arith.constant 0 : i32
    %shift_right_logical3A_2 = vector.broadcast %shift_right_logical3A : i32 to vector<512x1024xi32>
    %shift_right_logical3A_3 = arith.shrui %get3A_1, %shift_right_logical3A_2 : vector<512x1024xi32>
    %and3A = arith.constant 255 : i32
    %and3A_4 = vector.broadcast %and3A : i32 to vector<512x1024xi32>
    %and3A_5 = arith.andi %shift_right_logical3A_3, %and3A_4 : vector<512x1024xi32>
    %shift_right_logical3A_6 = arith.constant 8 : i32
    %shift_right_logical3A_7 = vector.broadcast %shift_right_logical3A_6 : i32 to vector<512x1024xi32>
    %shift_right_logical3A_8 = arith.shrui %get3A_1, %shift_right_logical3A_7 : vector<512x1024xi32>
    %and3A_9 = arith.constant 255 : i32
    %and3A_10 = vector.broadcast %and3A_9 : i32 to vector<512x1024xi32>
    %and3A_11 = arith.andi %shift_right_logical3A_8, %and3A_10 : vector<512x1024xi32>
    %shift_right_logical3A_12 = arith.constant 16 : i32
    %shift_right_logical3A_13 = vector.broadcast %shift_right_logical3A_12 : i32 to vector<512x1024xi32>
    %shift_right_logical3A_14 = arith.shrui %get3A_1, %shift_right_logical3A_13 : vector<512x1024xi32>
    %and3A_15 = arith.constant 255 : i32
    %and3A_16 = vector.broadcast %and3A_15 : i32 to vector<512x1024xi32>
    %and3A_17 = arith.andi %shift_right_logical3A_14, %and3A_16 : vector<512x1024xi32>
    %shift_right_logical3A_18 = arith.constant 24 : i32
    %shift_right_logical3A_19 = vector.broadcast %shift_right_logical3A_18 : i32 to vector<512x1024xi32>
    %shift_right_logical3A_20 = arith.shrui %get3A_1, %shift_right_logical3A_19 : vector<512x1024xi32>
    %and3A_21 = arith.constant 255 : i32
    %and3A_22 = vector.broadcast %and3A_21 : i32 to vector<512x1024xi32>
    %and3A_23 = arith.andi %shift_right_logical3A_20, %and3A_22 : vector<512x1024xi32>
    %concatenate3A = tpu.concatenate %and3A_5, %and3A_11, %and3A_17, %and3A_23 in 1 : vector<512x1024xi32>, vector<512x1024xi32>, vector<512x1024xi32>, vector<512x1024xi32> -> vector<512x4096xi32>
    %convert_element_type3A = arith.sitofp %concatenate3A : vector<512x4096xi32> to vector<512x4096xbf16>
    %get3A_24 = arith.constant 0 : index
    %get3A_25 = arith.constant 0 : index
    %get3A_26 = vector.load %arg2[%get3A_24, %get3A_25] : memref<4096x72xbf16, #tpu.memory_space<vmem>>, vector<4096x72xbf16>
    %dot_general3A = arith.constant dense<0.000000e+00> : vector<512x72xf32>
    %dot_general3A_27 = tpu.matmul %convert_element_type3A, %get3A_26, %dot_general3A {dimension_numbers = #tpu.dot_dimension_numbers<[1], [0], [0], [1], [0, 0, 1, 1], [], []>, transpose_lhs_hint = false} : vector<512x4096xbf16>, vector<4096x72xbf16>, vector<512x72xf32> -> vector<512x72xf32>
    %mul3A = arith.constant 5.000000e-03 : f32
    %mul3A_28 = vector.broadcast %mul3A : f32 to vector<512x72xf32>
    %mul3A_29 = arith.mulf %dot_general3A_27, %mul3A_28 : vector<512x72xf32>
    %get3A_30 = arith.constant 0 : index
    %get3A_31 = arith.constant 0 : index
    %get3A_32 = vector.load %arg3[%get3A_30, %get3A_31] : memref<72x256xf32, #tpu.memory_space<vmem>>, vector<72x256xf32>
    %dot_general3A_33 = arith.constant dense<0.000000e+00> : vector<512x256xf32>
    %dot_general3A_34 = tpu.matmul %mul3A_29, %get3A_32, %dot_general3A_33 {dimension_numbers = #tpu.dot_dimension_numbers<[1], [0], [0], [1], [0, 0, 1, 1], [], []>, transpose_lhs_hint = false} : vector<512x72xf32>, vector<72x256xf32>, vector<512x256xf32> -> vector<512x256xf32>
    %get3A_35 = arith.constant 0 : index
    %get3A_36 = arith.constant 0 : index
    %get3A_37 = vector.load %arg4[%get3A_35, %get3A_36] : memref<1x256xf32, #tpu.memory_space<vmem>>, vector<1x256xf32>
    %add3A = vector.broadcast %get3A_37 : vector<1x256xf32> to vector<512x256xf32>
    %add3A_38 = arith.addf %dot_general3A_34, %add3A : vector<512x256xf32>
    %reduce_sum3A = arith.constant dense<0.000000e+00> : vector<512xf32>
    %reduce_sum3A_39 = vector.multi_reduction <add>, %add3A_38, %reduce_sum3A [1] : vector<512x256xf32> to vector<512xf32>
    %broadcast_in_dim3A = vector.shape_cast %reduce_sum3A_39 : vector<512xf32> to vector<512x1xf32>
    %div3A = arith.constant 2.560000e+02 : f32
    %div3A_40 = vector.broadcast %div3A : f32 to vector<512x1xf32>
    %div3A_41 = arith.divf %broadcast_in_dim3A, %div3A_40 : vector<512x1xf32>
    %sub3A = vector.broadcast %div3A_41 : vector<512x1xf32> to vector<512x256xf32>
    %sub3A_42 = arith.subf %add3A_38, %sub3A : vector<512x256xf32>
    %mul3A_43 = arith.mulf %sub3A_42, %sub3A_42 : vector<512x256xf32>
    %reduce_sum3A_44 = arith.constant dense<0.000000e+00> : vector<512xf32>
    %reduce_sum3A_45 = vector.multi_reduction <add>, %mul3A_43, %reduce_sum3A_44 [1] : vector<512x256xf32> to vector<512xf32>
    %broadcast_in_dim3A_46 = vector.shape_cast %reduce_sum3A_45 : vector<512xf32> to vector<512x1xf32>
    %div3A_47 = arith.constant 2.560000e+02 : f32
    %div3A_48 = vector.broadcast %div3A_47 : f32 to vector<512x1xf32>
    %div3A_49 = arith.divf %broadcast_in_dim3A_46, %div3A_48 : vector<512x1xf32>
    %add3A_50 = arith.constant 9.99999974E-6 : f32
    %add3A_51 = vector.broadcast %add3A_50 : f32 to vector<512x1xf32>
    %add3A_52 = arith.addf %div3A_49, %add3A_51 : vector<512x1xf32>
    %rsqrt3A = math.rsqrt %add3A_52 : vector<512x1xf32>
    %mul3A_53 = vector.broadcast %rsqrt3A : vector<512x1xf32> to vector<512x256xf32>
    %mul3A_54 = arith.mulf %sub3A_42, %mul3A_53 : vector<512x256xf32>
    %get3A_55 = arith.constant 0 : index
    %get3A_56 = arith.constant 0 : index
    %get3A_57 = vector.load %arg5[%get3A_55, %get3A_56] : memref<1x256xf32, #tpu.memory_space<vmem>>, vector<1x256xf32>
    %mul3A_58 = vector.broadcast %get3A_57 : vector<1x256xf32> to vector<512x256xf32>
    %mul3A_59 = arith.mulf %mul3A_54, %mul3A_58 : vector<512x256xf32>
    %get3A_60 = arith.constant 0 : index
    %get3A_61 = arith.constant 0 : index
    %get3A_62 = vector.load %arg6[%get3A_60, %get3A_61] : memref<1x256xf32, #tpu.memory_space<vmem>>, vector<1x256xf32>
    %add3A_63 = vector.broadcast %get3A_62 : vector<1x256xf32> to vector<512x256xf32>
    %add3A_64 = arith.addf %mul3A_59, %add3A_63 : vector<512x256xf32>
    %max3A = arith.constant 0.000000e+00 : f32
    %max3A_65 = vector.broadcast %max3A : f32 to vector<512x256xf32>
    %max3A_66 = arith.maximumf %add3A_64, %max3A_65 : vector<512x256xf32>
    %swap3A = arith.constant 0 : index
    %swap3A_67 = arith.constant 0 : index
    %swap3A_68 = vector.load %arg7[%swap3A, %swap3A_67] : memref<512x256xf32, #tpu.memory_space<vmem>>, vector<512x256xf32>
    tpu.vector_store %arg7[%swap3A, %swap3A_67], %max3A_66 {strides = array<i32>} : memref<512x256xf32, #tpu.memory_space<vmem>>, vector<512x256xf32>,
    return
  }
  func.func @transform_0(%arg0: i32) -> (i32, i32) {
    %c0_i32 = arith.constant 0 : i32
    %c0_i32_0 = arith.constant 0 : i32
    return %arg0, %c0_i32 : i32, i32
  }
  func.func @transform_1(%arg0: i32) -> (i32, i32) {
    %c0_i32 = arith.constant 0 : i32
    %c0_i32_0 = arith.constant 0 : i32
    %c0_i32_1 = arith.constant 0 : i32
    return %c0_i32, %c0_i32_0 : i32, i32
  }
  func.func @transform_2(%arg0: i32) -> (i32, i32) {
    %c0_i32 = arith.constant 0 : i32
    %c0_i32_0 = arith.constant 0 : i32
    %c0_i32_1 = arith.constant 0 : i32
    return %c0_i32, %c0_i32_0 : i32, i32
  }
  func.func @transform_3(%arg0: i32) -> (i32, i32) {
    %c0_i32 = arith.constant 0 : i32
    %c0_i32_0 = arith.constant 0 : i32
    %c0_i32_1 = arith.constant 0 : i32
    return %c0_i32, %c0_i32_0 : i32, i32
  }
  func.func @transform_4(%arg0: i32) -> (i32, i32) {
    %c0_i32 = arith.constant 0 : i32
    %c0_i32_0 = arith.constant 0 : i32
    %c0_i32_1 = arith.constant 0 : i32
    return %c0_i32, %c0_i32_0 : i32, i32
  }
  func.func @transform_5(%arg0: i32) -> (i32, i32) {
    %c0_i32 = arith.constant 0 : i32
    %c0_i32_0 = arith.constant 0 : i32
    %c0_i32_1 = arith.constant 0 : i32
    return %c0_i32, %c0_i32_0 : i32, i32
  }
  func.func @transform_6(%arg0: i32) -> (i32, i32) {
    %c0_i32 = arith.constant 0 : i32
    %c0_i32_0 = arith.constant 0 : i32
    return %arg0, %c0_i32 : i32, i32
  }
}

</mosaic_0001>

<sc_bundles>
// kernel: kernel.4.cloned.1.call-start
scs
__scs_entry_jumppad:
0x0: {  	(pc) =	sbr.rel $0x88, $3  }
0x1: {  	(tag) =	ssettag $0x0;
	lr =	simm.s32 $0x1  }
0x2: {  	[smem:$0x3F9B] =	sst lr;
	_ =	strace $0xD0000000  }
0x3: {  	_ = 	snop  }
0x4: {  	_ = 	snop  }
0x5: {  	_ = 	snop  }
0x6: {  	_ = 	snop  }
0x7: {  	_ = 	snop  }
__scs_overlays_trampoline_lowered:
0x8: {  	[smem:$0x3FAA] =	sst s0  }
0x9: {  	[smem:$0x3FAB] =	sst s1  }
0xa: {  	[smem:$0x3FAC] =	sst s2  }
0xb: {  	[smem:$0x3FAD] =	sst s3  }
0xc: {  	[smem:$0x3FAE] =	sst s4  }
0xd: {  	[smem:$0x3FAF] =	sst s5  }
0xe: {  	[smem:$0x3FB0] =	sst s6  }
0xf: {  	[smem:$0x3FB1] =	sst s7  }
0x10: {  	[smem:$0x3FB2] =	sst s8  }
0x11: {  	[smem:$0x3FB3] =	sst s9;
	s0 =	simm.s32 @!p0 $0x0  }
0x12: {  	s1 =	sld [smem:$0x3F99];
	s0 =	simm.s32 @p0 $0x1  }
0x13: {  	[smem:$0x3FB4] =	sst s0;
	s0 =	simm.s32 @!p1 $0x0  }
0x14: {  	s2 =	sld [smem:$0x3F98];
	s0 =	simm.s32 @p1 $0x1  }
0x15: {  	[smem:$0x3FB5] =	sst s0;
	s0 =	simm.s32 @!p2 $0x0  }
0x16: {  	s3 =	sld [smem:$0x3FDB];
	s0 =	simm.s32 @p2 $0x1  }
0x17: {  	s4 =	simm.s32 $0x1BF5;
	[smem:$0x3FB7] =	sst s0  }
0x18: {  	s0 =	sld [smem:$0x3F9A];
	_ =	swait.ge [sflag:s4], $0x0  }
0x19: {  	s7 =	sld [smem:$0x3F9B]  }
0x1a: {  	s8 =	sadd.s32 $0xFFFFE003, lr  }
0x1b: {  	s9 =	sadd.s32 $0xFFFFFEF7, lr;
	s5 =	simm.s32 $0xFFFFFFFF;
	p2 =	slt.u32 s8, $0xFFFFF086  }
0x1c: {  	p1 =	slt.u32 s9, $0xF7A;
	s5 =	simm.s32 @!p2 $0x0  }
0x1d: {  	s5 =	simm.s32 @p1 $0x1;
	p0 =	seq.s32 s7, s2  }
0x1e: {  	s7 =	smul.u32 @!p0 $0xF7A, s2;
	p2 =	seq.s32 @!p0 s5, $0x0  }
0x1f: {  	s9 =	smul.u32 $0xF7A, s1;
	s8 =	simm.s32 @!p0 $0x1BF5;
	p2 =	por !p2, p0  }
0x20: {  	[sflag:s8] =	ssyncset.s32 @!p0 $0xFFFFF086;
	s6 =	sadd.s32 @!p0 s3, s7;
	s7 =	simm.s32 @!p0 $0x108  }
0x21: {  	s3 =	sadd.s32 s3, s9;
	s6 =	sadd.s32 @!p0 $0x88, s6;
	s7 =	simm.s32 @p2 $0x1082  }
0x22: {  	[simem:s7], [sflag:s8] =	dma.local @!p0 [hbm:s6], $0xF7A  }
0x23: {  	s9 =	sor.u32 $0xD0000000, s2;
	s6 =	simm.s32 $0x108;
	_ =	swait.ge @!p0 [sflag:s8], $0x0  }
0x24: {  	s3 =	sadd.s32 $0x88, s3;
	s6 =	simm.s32 @!p1 $0x1082;
	[sflag:s4] =	ssyncset.s32 $0xFFFFF086  }
0x25: {  	[simem:s6], [sflag:s4] =	dma.local [hbm:s3], $0xF7A  }
0x26: {  	[smem:$0x3F9B] =	sst s1;
	(tag) =	ssettag s2;
	_ =	strace s9  }
0x27: {  	s1 =	sld [smem:$0x3FAB]  }
0x28: {  	s2 =	sld [smem:$0x3FAC]  }
0x29: {  	s4 =	sld [smem:$0x3FAE]  }
0x2a: {  	p0 =	seq.s32 s5, $0x0;
	s5 =	sld [smem:$0x3FAF]  }
0x2b: {  	s6 =	sld [smem:$0x3FB0]  }
0x2c: {  	s7 =	sld [smem:$0x3FB1]  }
0x2d: {  	s3 =	simm.s32 $0x108;
	s8 =	sld [smem:$0x3FB2]  }
0x2e: {  	s3 =	simm.s32 @!p0 $0x1082;
	s9 =	sld [smem:$0x3FB3]  }
0x2f: {  	lr =	sadd.s32 s0, s3;
	s0 =	sld [smem:$0x3FAA]  }
0x30: {  	s3 =	sld [smem:$0x3FAD]  }
0x31: {  	[smem:$0x3FB6] =	sst s10  }
0x32: {  	s10 =	sld [smem:$0x3FB4];
	_ =	sdelay $0x3  }
0x33: {  	p0 =	seq.s32 s10, $0x1;
	s10 =	sld [smem:$0x3FB6];
	_ =	sdelay $0x3  }
0x34: {  	[smem:$0x3FB6] =	sst s10  }
0x35: {  	s10 =	sld [smem:$0x3FB5];
	_ =	sdelay $0x3  }
0x36: {  	p1 =	seq.s32 s10, $0x1;
	s10 =	sld [smem:$0x3FB6];
	_ =	sdelay $0x3  }
0x37: {  	[smem:$0x3FB6] =	sst s10  }
0x38: {  	s10 =	sld [smem:$0x3FB7]  }
0x39: {  	_ = 	snop;
	(pc) =	sbr.ind lr, $3  }
0x3a: {  	_ = 	snop  }
0x3b: {  	_ = 	snop  }
0x3c: {  	p2 =	seq.s32 s10, $0x1;
	s10 =	sld [smem:$0x3FB6]  }
0x3d: {  	_ =	shalt  }
0x3e: {  	_ =	shalt  }
0x3f: {  	_ =	shalt  }
0x40: {  	_ =	shalt  }
0x41: {  	_ =	shalt  }
0x42: {  	_ =	shalt  }
0x43: {  	_ =	shalt  }
0x44: {  	_ =	shalt  }
0x45: {  	_ =	shalt  }
0x46: {  	_ =	shalt  }
0x47: {  	_ =	shalt  }
0x48: {  	_ =	shalt  }
0x49: {  	_ =	shalt  }
0x4a: {  	_ =	shalt  }
0x4b: {  	_ =	shalt  }
0x4c: {  	_ =	shalt  }
0x4d: {  	_ =	shalt  }
0x4e: {  	_ =	shalt  }
0x4f: {  	_ =	shalt  }
0x50: {  	_ =	shalt  }
0x51: {  	_ =	shalt  }
0x52: {  	_ =	shalt  }
0x53: {  	_ =	shalt  }
0x54: {  	_ =	shalt  }
0x55: {  	_ =	shalt  }
0x56: {  	_ =	shalt  }
0x57: {  	_ =	shalt  }
0x58: {  	_ =	shalt  }
0x59: {  	_ =	shalt  }
0x5a: {  	_ =	shalt  }
0x5b: {  	_ =	shalt  }
0x5c: {  	_ =	shalt  }
0x5d: {  	_ =	shalt  }
0x5e: {  	_ =	shalt  }
0x5f: {  	_ =	shalt  }
0x60: {  	_ =	shalt  }
0x61: {  	_ =	shalt  }
0x62: {  	_ =	shalt  }
0x63: {  	_ =	shalt  }
0x64: {  	_ =	shalt  }
0x65: {  	_ =	shalt  }
0x66: {  	_ =	shalt  }
0x67: {  	_ =	shalt  }
0x68: {  	_ =	shalt  }
0x69: {  	_ =	shalt  }
0x6a: {  	_ =	shalt  }
0x6b: {  	_ =	shalt  }
0x6c: {  	_ =	shalt  }
0x6d: {  	_ =	shalt  }
0x6e: {  	_ =	shalt  }
0x6f: {  	_ =	shalt  }
0x70: {  	_ =	shalt  }
0x71: {  	_ =	shalt  }
0x72: {  	_ =	shalt  }
0x73: {  	_ =	shalt  }
0x74: {  	_ =	shalt  }
0x75: {  	_ =	shalt  }
0x76: {  	_ =	shalt  }
0x77: {  	_ =	shalt  }
0x78: {  	_ =	shalt  }
0x79: {  	_ =	shalt  }
0x7a: {  	_ =	shalt  }
0x7b: {  	_ =	shalt  }
0x7c: {  	_ =	shalt  }
0x7d: {  	_ =	shalt  }
0x7e: {  	_ =	shalt  }
0x7f: {  	_ =	shalt  }
0x80: {  	_ =	shalt  }
0x81: {  	_ =	shalt  }
0x82: {  	_ =	shalt  }
0x83: {  	_ =	shalt  }
0x84: {  	_ =	shalt  }
0x85: {  	_ =	shalt  }
0x86: {  	_ =	shalt  }
0x87: {  	_ =	shalt  }
.Lfunc_end0:
.L_simem_size_0:
called_computation_lowered:
.L_overlay_start_0:
0x88: {  	s2 =	sld [smem:$0x3FD9]  }
0x89: {  	s3 =	sld [smem:$0x3FFE];
	_ =	sdelay $0x1  }
0x8a: {  	s1 =	srdreg.scid  }
0x8b: {  	s0 =	sand.u32 $0x1, s1  }
0x8c: {  	s17 =	sshll.u32 s0, $0xA;
	s2 =	sadd.s32 s3, s2  }
0x8d: {  	s2 =	sadd.s32 s2, s17  }
0x8e: {  	[smem:$0x3FC2] =	sst s2  }
0x8f: {  	_ = 	snop  }
0x90: {  	s2 =	sld [smem:$0x3FD0];
	(tm) =	ssettm $0x1  }
0x91: {  	s18 =	sld [smem:$0x3FFB];
	_ =	sdelay $0x3  }
0x92: {  	_ =	strace s18  }
0x93: {  	s3 =	sld [smem:$0x3FFC];
	_ =	sdelay $0x3  }
0x94: {  	_ =	strace s3  }
0x95: {  	s3 =	sld [smem:$0x3FFD];
	_ =	sdelay $0x3  }
0x96: {  	_ =	strace s3  }
0x97: {  	_ =	strace $0x8FFFFFFF  }
0x98: {  	s19 =	sld [smem:$0x3FDB];
	_ =	sdelay $0x1  }
0x99: {  	s4 =	simm.s32 $_scs_section_size  }
0x9a: {  	s5 =	simm.s32 $_size__tile_overlayer_lowered;
	s6 =	simm.s32 $_tile_overlayer_lowered  }
0x9b: {  	s22 =	simm.s32 $0x1BFF;
	s21 =	sshll.u32 s6, $0x1;
	s3 =	sadd.s32 s4, s19  }
0x9c: {  	s7 =	simm.s32 $0x0;
	s20 =	sshll.u32 s5, $0x1;
	s5 =	sadd.s32 s21, s3  }
0x9d: {  	[timem:s7], [sflag:s22] =	dma.local [hbm:s5], s20  }
0x9e: {  	_ =	swait.ge [sflag:s22], s20  }
0x9f: {  	s4 =	ssub.s32 $0x0, s20;
	[sflag:s22] =	ssyncset.done $0x0  }
0xa0: {  	[sflag:s22] =	ssyncadd.s32 s4;
	_ =	sdelay $0x1  }
0xa1: {  	s23 =	simm.s32 $0x1B8B  }
0xa2: {  	_ =	swait.ge [sflag:s23], $0x1  }
0xa3: {  	[sflag:s23] =	ssyncset.done $0x0  }
0xa4: {  	s25 =	simm.s32 $0x1B8E;
	s24 =	sld [smem:$0x3FFE];
	[sflag:s23] =	ssyncadd.s32 $0xFFFFFFFF  }
0xa5: {  	s26 =	simm.s32 $execute0_lowered;
	[smem:$0x3FD2] =	sst s25  }
0xa6: {  	s5 =	sshll.u32 s26, $0x1;
	_ =	strace $0x80000046;
	[dreg:$0x1] =	wrdreg $0xFFFFFFFF  }
0xa7: {  	s28 =	simm.s32 $_size_execute0_lowered;
	s3 =	sadd.s32 s3, s5;
	[dreg:$0x0] =	wrdreg $0x0  }
0xa8: {  	s5 =	sshll.u32 s28, $0x1;
	[dreg:$0x2] =	wrdreg s3  }
0xa9: {  	[dreg:$0x3] =	wrdreg s5  }
0xaa: {  	[dreg:$0x4] =	wrdreg $0xC0  }
0xab: {  	_ =	task [dreg:s7], $0x5FFFF  }
0xac: {  	[dreg:$0x1] =	wrdreg $0xFFFFFFFF  }
0xad: {  	[dreg:$0x0] =	wrdreg $0x60  }
0xae: {  	[dreg:$0x2] =	wrdreg s2  }
0xaf: {  	[dreg:$0x3] =	wrdreg s24  }
0xb0: {  	[dreg:$0x4] =	wrdreg $0x9  }
0xb1: {  	_ =	task.clear_ibuf [dreg:s7], $0x5FFFF;
	_ =	strace $0x90000046  }
0xb2: {  	s29 =	simm.s32 $0x9;
	_ =	strace $0x80000048  }
0xb3: {  	_ =	swait.ge [sflag:s29], $0x1  }
0xb4: {  	[sflag:s29] =	ssyncadd.s32 $0xFFFFFFFF  }
0xb5: {  	_ =	strace $0x90000048  }
0xb6: {  	_ =	sfence  }
0xb7: {  	s30 =	sld [smem:$0x0];
	_ =	sdelay $0x2  }
0xb8: {  	s31 =	sshll.u32 s1, $0xD;
	s1 =	sshrl.u32 s1, $0x2  }
0xb9: {  	s3 =	sand.u32 $0x4000, s31;
	s1 =	sadd.s32 s1, s30  }
0xba: {  	s0 =	sor.u32 s3, s0;
	s1 =	sshll.u32 s1, $0x11  }
0xbb: {  	s0 =	sor.u32 s1, s0  }
0xbc: {  	s0 =	sadd.s32 $0x8F2B, s0  }
0xbd: {  	[sflag:s0] =	ssyncadd.remote.s32 $0x1  }
0xbe: {  	_ =	sfence.sel $0xFFFF  }
0xbf: {  	[dreg:$0x0] =	wrdreg $0xFFFFFFFF;
	(pc) =	sbr.abs _section_cstart, $3  }
0xc0: {  	[dreg:$0x1] =	wrdreg $0xFFFFFFFF  }
0xc1: {  	_ =	task.clear_ibuf [dreg:s7], $0x2FFFF;
	_ =	strace $0x9FFFFFFF  }
0xc2: {  	(tm) =	ssettm $0x7FFFFFFF  }
0xc3: {  	_ =	shalt  }
tec
execute0_lowered:
.L_overlay_start_1:
0x0: {  	(tag) =	ssettag $0x1  }
0x1: {  	s1 =	rddreg [dreg:$0x0]  }
0x2: {  	s4 =	rddreg [dreg:$0x1]  }
0x3: {  	s3 =	srdreg.scid;
	s0 =	rddreg [dreg:$0x2];
	s2 =	simm.s32 $0x0  }
0x4: {  	s8 =	simm.s32 $0xC80;
	s9 =	simm.s32 $0x0;
	s5 =	sand.u32 $0x1, s3  }
0x5: {  	[smem:$0x7FF] =	sst s2;
	s3 =	stileid.u32;
	s6 =	ssub.s32 $0x2, s5  }
0x6: {  	s4 =	sadd.s32 $0xE00, s4;
	_ =	strace $0x80000047;
	s7 =	sshrl.u32 s6, $0x1  }
0x7: {  	v0 =	vimm.s32 $0x0;
	v3 =	vlaneseq.u32;
	s31 =	sshll.u32 s3, $0xA;
	s5 =	sshll.u32 s5, $0x9;
	s6 =	ssub.s32 s6, s7  }
0x8: {  	v2 =	vimm.s32 $0x1;
	v1 =	vmul.u32 $0xC8, v3;
	v3 =	vmul.u32 $0x400, v3;
	s5 =	sor.u32 s5, s31;
	s7 =	simm.s32 $0x1;
	s6 =	smax.u32 s6, $0x1  }
.LBB2_1:
0x9: {  	s10 =	simm.s32 $0x0  }
.LBB2_2:
0xa: {  	s11 =	sshll.u32 s10, $0x4  }
0xb: {  	s11 =	sadd.s32 s5, s11  }
0xc: {  	s12 =	smul.u32 $0x19, s11;
	_ =	sdelay $0x1  }
0xd: {  	s13 =	sadd.s32 s1, s12;
	s12 =	simm.s32 $0x0  }
0xe: {  	[tilespmem:s12], [sflag:$0x1] =	stream.linear.gather [hbm4b:s13+s12], $0xC80, $0x38;
	[tilespmem:$0x4C80] =	vst v63  }
0xf: {  	_ =	swait.ge [sflag:s7], $0xC80  }
0x10: {  	[sflag:s7] =	ssyncset.done $0x0  }
0x11: {  	s14 =	simm.s32 $0x0;
	s13 =	simm.s32 $0x40;
	[sflag:s7] =	ssyncadd.s32 $0xFFFFF380  }
.LBB2_3:
0x12: {  	p0 =	sne.s32 s13, $0xFFC0;
	[tilespmem:s14+$0xC80] =	vst v0;
	s14 =	smov.u32 s13;
	s13 =	sadd.s32 $0x40, s13  }
.Ltmp0:
0x13: {  	(pc) =	sbr.rel @p0 .LBB2_3-.Ltmp0, $2  }
0x14: {  	_ =	sdelay $0x2  }
0x15: {  	s14 =	sshra.s32 s14, $0x2  }
0x16: {  	v4 =	vadd.s32 s12, v1;
	_ =	sdelay $0x3  }
0x17: {  	[tilespmem:s14+$0xC80] =	vst v0  }
0x18: {  	v4 =	vld.idx.msk [tilespmem:v4+s2+$0x0], $0xffff;
	_ =	sdelay $0x4  }
0x19: {  	v5 =	vshrl.u32 v4, $0x2  }
0x1a: {  	v6 =	vadd.s32 v3, v5  }
0x1b: {  	v5 =	vand.u32 $0x7F, v5;
	v6 =	vand.u32 $0x7FFFFF80, v6  }
0x1c: {  	s31 =	simm.s32 $0x1;
	v5 =	vor.u32 v5, v6  }
0x1d: {  	s12 =	simm.s32 $0x2;
	v6 =	vadd.s32 s31, v1  }
.LBB2_5:
0x1e: {  	p0 =	sne.s32 s12, $0xC7;
	v4 =	vshll.u32 v4, $0x3  }
0x1f: {  	v4 =	vand.u32 $0x18, v4  }
0x20: {  	v4 =	vshll.u32 v2, v4  }
0x21: {  	[tilespmem:v5+s8+$0x0] =	vst.idx.add.s32.msk $0xffff, v4  }
0x22: {  	v4 =	vld.idx.msk [tilespmem:v6+s2+$0x0], $0xffff;
	_ =	sdelay $0x5  }
.Ltmp1:
0x23: {  	v5 =	vshrl.u32 v4, $0x2;
	(pc) =	sbr.rel @p0 .LBB2_5-.Ltmp1, $4  }
0x24: {  	v6 =	vadd.s32 v3, v5  }
0x25: {  	v5 =	vand.u32 $0x7F, v5;
	v6 =	vand.u32 $0x7FFFFF80, v6  }
0x26: {  	v5 =	vor.u32 v5, v6  }
0x27: {  	v6 =	vadd.s32 s12, v1;
	s12 =	sadd.s32 $0x1, s12  }
0x28: {  	_ = 	snop  }
0x29: {  	v4 =	vshll.u32 v4, $0x3  }
0x2a: {  	v4 =	vand.u32 $0x18, v4  }
0x2b: {  	v4 =	vshll.u32 v2, v4  }
0x2c: {  	[tilespmem:v5+s8+$0x0] =	vst.idx.add.s32.msk $0xffff, v4  }
0x2d: {  	v4 =	vld.idx.msk [tilespmem:v6+s2+$0x0], $0xffff;
	_ =	sdelay $0x4  }
0x2e: {  	v5 =	vshrl.u32 v4, $0x2  }
0x2f: {  	v63 =	vadd.s32 v3, v5  }
0x30: {  	v5 =	vand.u32 $0x7F, v5;
	v6 =	vand.u32 $0x7FFFFF80, v63  }
0x31: {  	v5 =	vor.u32 v5, v6;
	_ =	sdelay $0x1  }
0x32: {  	v4 =	vshll.u32 v4, $0x3  }
0x33: {  	s10 =	sadd.s32 $0x1, s10;
	v4 =	vand.u32 $0x18, v4  }
0x34: {  	s11 =	sshll.u32 s11, $0x7;
	p0 =	sne.s32 s10, $0x20;
	v4 =	vshll.u32 v2, v4  }
.Ltmp2:
0x35: {  	s11 =	sadd.s32 s4, s11;
	[tilespmem:v5+s8+$0x0] =	vst.idx.add.s32.msk $0xffff, v4;
	(pc) =	sbr.rel @p0 .LBB2_2-.Ltmp2, $4  }
0x36: {  	[hbm4b:s11+s2] =	stream.linear.scatter [tilespmem:s8], [sflag:$0x1], $0x4000, $0x38;
	[tilespmem:$0x4C80] =	vst v63  }
0x37: {  	_ =	swait.ge [sflag:s7], $0x4000  }
0x38: {  	[sflag:s7] =	ssyncset.done $0x0  }
0x39: {  	[sflag:s7] =	ssyncadd.s32 $0xFFFFC000  }
0x3a: {  	s9 =	sadd.s32 $0x1, s9  }
0x3b: {  	p0 =	sne.s32 s9, s6  }
.Ltmp3:
0x3c: {  	_ = 	snop;
	(pc) =	sbr.rel @p0 .LBB2_1-.Ltmp3, $1  }
0x3d: {  	_ =	sdelay $0x3  }
0x3e: {  	_ =	sfence.sel $0x180000  }
0x3f: {  	[bflag:$0x0] =	sbarrier.arrive $0xFFFF  }
0x40: {  	p0 =	sne.s32 s3, $0x0;
	_ =	strace $0x90000047  }
0x41: {  	s0 =	sadd.s32 @!p0 $0x100000, s0;
	[bflag:$0x2] =	sbarrier.arrive $0xFFFF  }
0x42: {  	[sflag:s0] =	ssyncadd.tile.s32 @!p0 $0x1;
	_ =	shalt  }
.Lfunc_end2:
_tile_overlayer_lowered:
.L_overlay_start_2:
0x43: {  	(tag) =	ssettag $0x2  }
0x44: {  	s0 =	rddreg [dreg:$0x0];
	s2 =	stileid.u32  }
0x45: {  	s1 =	rddreg [dreg:$0x1];
	p0 =	sne.s32 s2, $0x0  }
0x46: {  	s3 =	rddreg [dreg:$0x2];
	[bflag:$0x3] =	sbarrier.arrive $0xFFFF;
	s2 =	simm.s32 @!p0 $0x1C01  }
0x47: {  	[timem:s3], [sflag:s2] =	dma.local @!p0 [hbm:s0], s1  }
0x48: {  	s0 =	simm.s32 @!p0 $0x1  }
0x49: {  	_ =	swait.ge @!p0 [sflag:s0], s1  }
0x4a: {  	s1 =	ssub.s32 @!p0 $0x0, s1;
	[sflag:s0] =	ssyncset.done @!p0 $0x0  }
0x4b: {  	[sflag:s0] =	ssyncadd.s32 @!p0 s1  }
0x4c: {  	[bflag:$0x3] =	sbarrier.arrive $0xFFFF  }
0x4d: {  	_ =	shalt  }

</sc_bundles>
